<compile_context>
chip_gen: v7x
topology: tpu7x:2x2x1
jax: 0.10.2.dev20260603
libtpu: 0.0.44.dev20260713+nightly
codegen_flags: <defaults>
</compile_context>

<pallas_src>
import functools

import jax
import jax.numpy as jnp
from jax import lax
from jax.experimental import pallas as pl
from jax.experimental.pallas import tpu as pltpu
from jax.experimental.pallas import tpu_sc as plsc


def _logits_block_kernel(x_ref, w1_ref, b1_ref, w2_ref, b2_ref,
                         out_ref, w1bf_scr, h_scr):
    i = pl.program_id(0)

    @pl.when(i == 0)
    def _():
        w1bf_scr[:] = w1_ref[:].astype(jnp.bfloat16)

    x_bf16 = x_ref[:].astype(jnp.bfloat16)
    h = jnp.dot(x_bf16, w1bf_scr[:], preferred_element_type=jnp.float32)
    h_scr[:] = jnp.maximum(h + b1_ref[:], 0.0).astype(jnp.bfloat16)
    out_ref[:] = jnp.dot(h_scr[:], w2_ref[:].astype(jnp.bfloat16),
                         preferred_element_type=jnp.float32) + b2_ref[:]


def _tc_logits(x, W1, b1, W2, b2):
    n_tokens, d_in = x.shape
    d_hidden = W1.shape[1]
    n_experts = W2.shape[1]
    bm = 1024
    grid = (n_tokens // bm,)
    return pl.pallas_call(
        _logits_block_kernel,
        grid=grid,
        in_specs=[
            pl.BlockSpec((bm, d_in), lambda i: (i, 0)),
            pl.BlockSpec((d_in, d_hidden), lambda i: (0, 0)),
            pl.BlockSpec((1, d_hidden), lambda i: (0, 0)),
            pl.BlockSpec((d_hidden, n_experts), lambda i: (0, 0)),
            pl.BlockSpec((1, n_experts), lambda i: (0, 0)),
        ],
        out_specs=pl.BlockSpec((bm, n_experts), lambda i: (i, 0)),
        out_shape=jax.ShapeDtypeStruct((n_tokens, n_experts), jnp.float32),
        scratch_shapes=[
            pltpu.VMEM((d_in, d_hidden), jnp.bfloat16),
            pltpu.VMEM((bm, d_hidden), jnp.bfloat16),
        ],
        compiler_params=pltpu.CompilerParams(
            dimension_semantics=("arbitrary",),
        ),
    )(x, W1, b1.reshape(1, d_hidden), W2, b2.reshape(1, n_experts))


def _sc_route(logits):
    n_tokens, n_exp = logits.shape
    info = plsc.get_sparse_core_info()
    nc, ns = info.num_cores, info.num_subcores
    nw = nc * ns
    chunk = n_tokens // nw
    mesh = plsc.VectorSubcoreMesh(core_axis_name="c", subcore_axis_name="s")

    @functools.partial(
        pl.kernel, mesh=mesh,
        out_type=jax.ShapeDtypeStruct((n_tokens, n_exp), jnp.float32),
        compiler_params=pltpu.CompilerParams(needs_layout_passes=False),
        scratch_types=[
            pltpu.VMEM((chunk, n_exp), jnp.float32),
            pltpu.VMEM((chunk, n_exp), jnp.float32),
        ],
    )
    def route(logits_hbm, out_hbm, in_v, out_v):
        wid = lax.axis_index("s") * nc + lax.axis_index("c")
        base = wid * chunk
        pltpu.sync_copy(logits_hbm.at[pl.ds(base, chunk)], in_v)

        col = lax.iota(jnp.int32, n_exp)

        def body(t, carry):
            row = in_v[t]
            m1 = jnp.max(row)
            i1 = jnp.min(jnp.where(row >= m1, col, n_exp))
            row2 = jnp.where(col == i1, -jnp.inf, row)
            m2 = jnp.max(row2)
            i2 = jnp.min(jnp.where(row2 >= m2, col, n_exp))
            e = jnp.exp(jnp.broadcast_to(m2 - m1, (n_exp,)))
            c1 = 1.0 / (1.0 + e)
            c2 = e / (1.0 + e)
            out_v[t] = jnp.where(col == i1, c1,
                                 jnp.where(col == i2, c2, 0.0))
            return carry

        lax.fori_loop(0, chunk, body, 0)
        pltpu.sync_copy(out_v, out_hbm.at[pl.ds(base, chunk)])

    return route(logits)


@functools.partial(jax.jit, static_argnames=())
def kernel(x, W1, b1, W2, b2):
    return _sc_route(_tc_logits(x, W1, b1, W2, b2))

# --- scband reference (transcript-rebuilt; emitter-appended) ---
"""Pipeline reference for scband-top-krouter-3985729651291 (READ-ONLY COPY).

The authoritative reference and input builder live on the scoring server;
editing this copy changes nothing except your own understanding.
"""

import jax, jax.numpy as jnp
import numpy as np

INPUT_DIM = 2048
HIDDEN_DIM = 2048
NUM_EXPERTS = 16
TOP_K = 2
TAU = 1.0
N_TOKENS = 8192


def setup_inputs(seed: int = 0) -> dict:
    key = jax.random.key(seed)
    k1, k2, k3 = jax.random.split(key, 3)
    x = jax.random.normal(k1, (N_TOKENS, INPUT_DIM), dtype=jnp.float32)
    W1 = jax.random.normal(k2, (INPUT_DIM, HIDDEN_DIM), dtype=jnp.float32) * 0.02
    b1 = jnp.zeros((HIDDEN_DIM,), dtype=jnp.float32)
    W2 = jax.random.normal(k3, (HIDDEN_DIM, NUM_EXPERTS), dtype=jnp.float32) * 0.02
    b2 = jnp.zeros((NUM_EXPERTS,), dtype=jnp.float32)
    return {"x": x, "W1": W1, "b1": b1, "W2": W2, "b2": b2}


def reference(x, W1, b1, W2, b2):
    h = jnp.maximum(x @ W1 + b1, 0.0)
    logits = h @ W2 + b2
    scores = jax.nn.softmax(logits / max(TAU, 1e-06), axis=1)
    if TOP_K < scores.shape[1]:
        topk_vals, topk_idx = jax.lax.top_k(scores, TOP_K)
        rows = jnp.arange(scores.shape[0])[:, None]
        mask = jnp.zeros_like(scores).at[rows, topk_idx].set(1.0)
        scores = scores * mask
        scores = scores / (jnp.sum(scores, axis=1, keepdims=True) + 1e-08)
    return scores

if __name__ == "__main__":
    import jax
    _d = setup_inputs()
    print(jax.jit(kernel)(*tuple(_d.values())))

</pallas_src>

<mosaic_0001>
#map = affine_map<(d0, d1) -> (0, 0)>
module attributes {stable_mosaic.version = 14 : i64} {
  func.func @route(%arg0: i32, %arg1: i32, %arg2: memref<8192x16xf32, #tpu.memory_space<hbm>>, %arg3: memref<8192x16xf32, #tpu.memory_space<hbm>>, %arg4: memref<256x16xf32, #tpu.memory_space<vmem>>, %arg5: memref<256x16xf32, #tpu.memory_space<vmem>>) attributes {dimension_semantics = [#tpu.dimension_semantics<core_parallel>, #tpu.dimension_semantics<subcore_parallel>], iteration_bounds = array<i64: 2, 16>, scalar_prefetch = 0 : i64, scratch_operands = 2 : i64, tpu.core_type = #tpu.core_type<sc_vector_subcore>, window_params = [{transform_indices = #map}, {transform_indices = #map}]} {
    %mul3A = arith.constant 2 : i32
    %mul3A_0 = arith.muli %arg1, %mul3A : i32
    %add3A = arith.addi %mul3A_0, %arg0 : i32
    %mul3A_1 = arith.constant 256 : i32
    %mul3A_2 = arith.muli %add3A, %mul3A_1 : i32
    "tpu.region"() ({
      %run_scoped3A = tpu.sem_alloc : memref<!tpu.dma_semaphore, #tpu.memory_space<semaphore_mem>>
      %dma_start3A = arith.constant 0 : i32
      %dma_start3A_8 = tpu.memref_slice %arg2[%mul3A_2, %dma_start3A] : memref<8192x16xf32, #tpu.memory_space<hbm>> -> memref<256x16xf32, #tpu.memory_space<hbm>>
      %dma_start3A_9 = arith.constant 0 : i32
      %dma_start3A_10 = tpu.memref_slice %arg2[%mul3A_2, %dma_start3A_9] : memref<8192x16xf32, #tpu.memory_space<hbm>> -> memref<256x16xf32, #tpu.memory_space<hbm>>
      tpu.enqueue_dma source(%dma_start3A_10 : memref<256x16xf32, #tpu.memory_space<hbm>>) target(%arg4 : memref<256x16xf32, #tpu.memory_space<vmem>>) target_semaphore(%run_scoped3A : memref<!tpu.dma_semaphore, #tpu.memory_space<semaphore_mem>>)
      %dma_wait3A = arith.constant 0 : i32
      %dma_wait3A_11 = tpu.memref_slice %arg2[%mul3A_2, %dma_wait3A] : memref<8192x16xf32, #tpu.memory_space<hbm>> -> memref<256x16xf32, #tpu.memory_space<hbm>>
      %dma_wait3A_12 = arith.constant 0 : i32
      %dma_wait3A_13 = tpu.memref_slice %arg2[%mul3A_2, %dma_wait3A_12] : memref<8192x16xf32, #tpu.memory_space<hbm>> -> memref<256x16xf32, #tpu.memory_space<hbm>>
      tpu.wait_dma2 semaphore(%run_scoped3A : memref<!tpu.dma_semaphore, #tpu.memory_space<semaphore_mem>>) src(%dma_wait3A_13 : memref<256x16xf32, #tpu.memory_space<hbm>>) dst(%arg4 : memref<256x16xf32, #tpu.memory_space<vmem>>)
      tpu.yield
    }) : () -> ()
    %iota3A = tpu.iota {dimensions = array<i32: 0>} : vector<16xi32>
    %scan3A = arith.constant 0 : i32
    %scan3A_3 = arith.constant 0 : i32
    %scan3A_4 = arith.constant 256 : i32
    %scan3A_5 = arith.addi %scan3A_3, %scan3A_4 : i32
    %scan3A_6 = arith.constant 1 : i32
    scf.for %scan3A_8 = %scan3A_3 to %scan3A_5 step %scan3A_6  : i32 {
      %get3A = arith.index_cast %scan3A_8 : i32 to index
      %get3A_9 = arith.constant 0 : index
      %get3A_10 = tpu.vector_load %arg4[%get3A, %get3A_9] {strides = array<i32>} : memref<256x16xf32, #tpu.memory_space<vmem>>, vector<16xf32>,
      %reduce_max3A = arith.constant true
      %reduce_max3A_11 = vector.broadcast %reduce_max3A : i1 to vector<16xi1>
      %reduce_max3A_12 = tpu.scan <max>, %get3A_10 masked %reduce_max3A_11 : vector<16xf32>, vector<16xi1> -> vector<16xf32>
      %reduce_max3A_13 = vector.extract %reduce_max3A_12[15] : f32 from vector<16xf32>
      %ge3A = vector.broadcast %reduce_max3A_13 : f32 to vector<16xf32>
      %ge3A_14 = arith.cmpf oge, %get3A_10, %ge3A : vector<16xf32>
      %jit3A = arith.constant 16 : i32
      %broadcast_in_dim3A = vector.broadcast %jit3A : i32 to vector<16xi32>
      %select_n3A = arith.select %ge3A_14, %iota3A, %broadcast_in_dim3A : vector<16xi1>, vector<16xi32>
      %reduce_min3A = arith.constant true
      %reduce_min3A_15 = vector.broadcast %reduce_min3A : i1 to vector<16xi1>
      %reduce_min3A_16 = arith.constant -2147483648 : i32
      %reduce_min3A_17 = vector.broadcast %reduce_min3A_16 : i32 to vector<16xi32>
      %reduce_min3A_18 = arith.xori %select_n3A, %reduce_min3A_17 : vector<16xi32>
      %reduce_min3A_19 = tpu.scan <min>, %reduce_min3A_18 masked %reduce_min3A_15 : vector<16xi32>, vector<16xi1> -> vector<16xi32>
      %reduce_min3A_20 = arith.xori %reduce_min3A_19, %reduce_min3A_17 : vector<16xi32>
      %reduce_min3A_21 = vector.extract %reduce_min3A_20[15] : i32 from vector<16xi32>
      %eq3A = vector.broadcast %reduce_min3A_21 : i32 to vector<16xi32>
      %eq3A_22 = arith.cmpi eq, %iota3A, %eq3A : vector<16xi32>
      %jit3A_23 = arith.constant 0xFF800000 : f32
      %broadcast_in_dim3A_24 = vector.broadcast %jit3A_23 : f32 to vector<16xf32>
      %select_n3A_25 = arith.select %eq3A_22, %broadcast_in_dim3A_24, %get3A_10 : vector<16xi1>, vector<16xf32>
      %reduce_max3A_26 = arith.constant true
      %reduce_max3A_27 = vector.broadcast %reduce_max3A_26 : i1 to vector<16xi1>
      %reduce_max3A_28 = tpu.scan <max>, %select_n3A_25 masked %reduce_max3A_27 : vector<16xf32>, vector<16xi1> -> vector<16xf32>
      %reduce_max3A_29 = vector.extract %reduce_max3A_28[15] : f32 from vector<16xf32>
      %ge3A_30 = vector.broadcast %reduce_max3A_29 : f32 to vector<16xf32>
      %ge3A_31 = arith.cmpf oge, %select_n3A_25, %ge3A_30 : vector<16xf32>
      %jit3A_32 = arith.constant 16 : i32
      %broadcast_in_dim3A_33 = vector.broadcast %jit3A_32 : i32 to vector<16xi32>
      %select_n3A_34 = arith.select %ge3A_31, %iota3A, %broadcast_in_dim3A_33 : vector<16xi1>, vector<16xi32>
      %reduce_min3A_35 = arith.constant true
      %reduce_min3A_36 = vector.broadcast %reduce_min3A_35 : i1 to vector<16xi1>
      %reduce_min3A_37 = arith.constant -2147483648 : i32
      %reduce_min3A_38 = vector.broadcast %reduce_min3A_37 : i32 to vector<16xi32>
      %reduce_min3A_39 = arith.xori %select_n3A_34, %reduce_min3A_38 : vector<16xi32>
      %reduce_min3A_40 = tpu.scan <min>, %reduce_min3A_39 masked %reduce_min3A_36 : vector<16xi32>, vector<16xi1> -> vector<16xi32>
      %reduce_min3A_41 = arith.xori %reduce_min3A_40, %reduce_min3A_38 : vector<16xi32>
      %reduce_min3A_42 = vector.extract %reduce_min3A_41[15] : i32 from vector<16xi32>
      %sub3A = arith.subf %reduce_max3A_29, %reduce_max3A_13 : f32
      %broadcast_in_dim3A_43 = vector.broadcast %sub3A : f32 to vector<16xf32>
      %exp3A = math.exp %broadcast_in_dim3A_43 : vector<16xf32>
      %add3A_44 = arith.constant 1.000000e+00 : f32
      %add3A_45 = vector.broadcast %add3A_44 : f32 to vector<16xf32>
      %add3A_46 = arith.addf %add3A_45, %exp3A : vector<16xf32>
      %div3A = arith.constant 1.000000e+00 : f32
      %div3A_47 = vector.broadcast %div3A : f32 to vector<16xf32>
      %div3A_48 = arith.divf %div3A_47, %add3A_46 : vector<16xf32>
      %add3A_49 = arith.constant 1.000000e+00 : f32
      %add3A_50 = vector.broadcast %add3A_49 : f32 to vector<16xf32>
      %add3A_51 = arith.addf %add3A_50, %exp3A : vector<16xf32>
      %div3A_52 = arith.divf %exp3A, %add3A_51 : vector<16xf32>
      %eq3A_53 = vector.broadcast %reduce_min3A_21 : i32 to vector<16xi32>
      %eq3A_54 = arith.cmpi eq, %iota3A, %eq3A_53 : vector<16xi32>
      %eq3A_55 = vector.broadcast %reduce_min3A_42 : i32 to vector<16xi32>
      %eq3A_56 = arith.cmpi eq, %iota3A, %eq3A_55 : vector<16xi32>
      %jit3A_57 = arith.constant 0.000000e+00 : f32
      %broadcast_in_dim3A_58 = vector.broadcast %jit3A_57 : f32 to vector<16xf32>
      %select_n3A_59 = arith.select %eq3A_56, %div3A_52, %broadcast_in_dim3A_58 : vector<16xi1>, vector<16xf32>
      %select_n3A_60 = arith.select %eq3A_54, %div3A_48, %select_n3A_59 : vector<16xi1>, vector<16xf32>
      %swap3A = arith.index_cast %scan3A_8 : i32 to index
      %swap3A_61 = arith.constant 0 : index
      %swap3A_62 = tpu.vector_load %arg5[%swap3A, %swap3A_61] {strides = array<i32>} : memref<256x16xf32, #tpu.memory_space<vmem>>, vector<16xf32>,
      tpu.vector_store %arg5[%swap3A, %swap3A_61], %select_n3A_60 {strides = array<i32>} : memref<256x16xf32, #tpu.memory_space<vmem>>, vector<16xf32>,
    }
    %scan3A_7 = arith.constant 256 : i32
    "tpu.region"() ({
      %run_scoped3A = tpu.sem_alloc : memref<!tpu.dma_semaphore, #tpu.memory_space<semaphore_mem>>
      %dma_start3A = arith.constant 0 : i32
      %dma_start3A_8 = tpu.memref_slice %arg3[%mul3A_2, %dma_start3A] : memref<8192x16xf32, #tpu.memory_space<hbm>> -> memref<256x16xf32, #tpu.memory_space<hbm>>
      %dma_start3A_9 = arith.constant 0 : i32
      %dma_start3A_10 = tpu.memref_slice %arg3[%mul3A_2, %dma_start3A_9] : memref<8192x16xf32, #tpu.memory_space<hbm>> -> memref<256x16xf32, #tpu.memory_space<hbm>>
      tpu.enqueue_dma source(%arg5 : memref<256x16xf32, #tpu.memory_space<vmem>>) target(%dma_start3A_10 : memref<256x16xf32, #tpu.memory_space<hbm>>) target_semaphore(%run_scoped3A : memref<!tpu.dma_semaphore, #tpu.memory_space<semaphore_mem>>)
      %dma_wait3A = arith.constant 0 : i32
      %dma_wait3A_11 = tpu.memref_slice %arg3[%mul3A_2, %dma_wait3A] : memref<8192x16xf32, #tpu.memory_space<hbm>> -> memref<256x16xf32, #tpu.memory_space<hbm>>
      %dma_wait3A_12 = arith.constant 0 : i32
      %dma_wait3A_13 = tpu.memref_slice %arg3[%mul3A_2, %dma_wait3A_12] : memref<8192x16xf32, #tpu.memory_space<hbm>> -> memref<256x16xf32, #tpu.memory_space<hbm>>
      tpu.wait_dma2 semaphore(%run_scoped3A : memref<!tpu.dma_semaphore, #tpu.memory_space<semaphore_mem>>) src(%arg5 : memref<256x16xf32, #tpu.memory_space<vmem>>) dst(%dma_wait3A_13 : memref<256x16xf32, #tpu.memory_space<hbm>>)
      tpu.yield
    }) : () -> ()
    return
  }
}

module attributes {stable_mosaic.version = 14 : i64} {
  func.func @_logits_block_kernel(%arg0: i32, %arg1: memref<1024x2048xf32, #tpu.memory_space<vmem>>, %arg2: memref<2048x2048xf32, #tpu.memory_space<vmem>>, %arg3: memref<1x2048xf32, #tpu.memory_space<vmem>>, %arg4: memref<2048x16xf32, #tpu.memory_space<vmem>>, %arg5: memref<1x16xf32, #tpu.memory_space<vmem>>, %arg6: memref<1024x16xf32, #tpu.memory_space<vmem>>, %arg7: memref<2048x2048xbf16, #tpu.memory_space<vmem>>, %arg8: memref<1024x2048xbf16, #tpu.memory_space<vmem>>) attributes {dimension_semantics = [#tpu.dimension_semantics<arbitrary>], iteration_bounds = array<i64: 8>, scalar_prefetch = 0 : i64, scratch_operands = 2 : i64, tpu.core_type = #tpu.core_type<tc>, window_params = [{transform_indices = @transform_0, window_bounds = array<i64: 1024, 2048>}, {pipeline_mode = #tpu.pipeline_mode<synchronous>, transform_indices = @transform_1, window_bounds = array<i64: 2048, 2048>}, {pipeline_mode = #tpu.pipeline_mode<synchronous>, transform_indices = @transform_2, window_bounds = array<i64: 1, 2048>}, {pipeline_mode = #tpu.pipeline_mode<synchronous>, transform_indices = @transform_3, window_bounds = array<i64: 2048, 16>}, {pipeline_mode = #tpu.pipeline_mode<synchronous>, transform_indices = @transform_4, window_bounds = array<i64: 1, 16>}, {transform_indices = @transform_5, window_bounds = array<i64: 1024, 16>}]} {
    %eq3A = arith.constant 0 : i32
    %eq3A_0 = arith.cmpi eq, %arg0, %eq3A : i32
    %convert_element_type3A = arith.extui %eq3A_0 : i1 to i32
    %cond3A = arith.constant 0 : i32
    %cond3A_1 = arith.cmpi ne, %convert_element_type3A, %cond3A : i32
    scf.if %cond3A_1 {
      %get3A_35 = arith.constant 0 : index
      %get3A_36 = arith.constant 0 : index
      %get3A_37 = vector.load %arg2[%get3A_35, %get3A_36] : memref<2048x2048xf32, #tpu.memory_space<vmem>>, vector<2048x2048xf32>
      %convert_element_type3A_38 = arith.truncf %get3A_37 : vector<2048x2048xf32> to vector<2048x2048xbf16>
      %swap3A_39 = arith.constant 0 : index
      %swap3A_40 = arith.constant 0 : index
      %swap3A_41 = vector.load %arg7[%swap3A_39, %swap3A_40] : memref<2048x2048xbf16, #tpu.memory_space<vmem>>, vector<2048x2048xbf16>
      tpu.vector_store %arg7[%swap3A_39, %swap3A_40], %convert_element_type3A_38 {strides = array<i32>} : memref<2048x2048xbf16, #tpu.memory_space<vmem>>, vector<2048x2048xbf16>,
    } else {
    }
    %get3A = arith.constant 0 : index
    %get3A_2 = arith.constant 0 : index
    %get3A_3 = vector.load %arg1[%get3A, %get3A_2] : memref<1024x2048xf32, #tpu.memory_space<vmem>>, vector<1024x2048xf32>
    %convert_element_type3A_4 = arith.truncf %get3A_3 : vector<1024x2048xf32> to vector<1024x2048xbf16>
    %get3A_5 = arith.constant 0 : index
    %get3A_6 = arith.constant 0 : index
    %get3A_7 = vector.load %arg7[%get3A_5, %get3A_6] : memref<2048x2048xbf16, #tpu.memory_space<vmem>>, vector<2048x2048xbf16>
    %dot_general3A = arith.constant dense<0.000000e+00> : vector<1024x2048xf32>
    %dot_general3A_8 = tpu.matmul %convert_element_type3A_4, %get3A_7, %dot_general3A {dimension_numbers = #tpu.dot_dimension_numbers<[1], [0], [0], [1], [0, 0, 1, 1], [], []>, transpose_lhs_hint = false} : vector<1024x2048xbf16>, vector<2048x2048xbf16>, vector<1024x2048xf32> -> vector<1024x2048xf32>
    %get3A_9 = arith.constant 0 : index
    %get3A_10 = arith.constant 0 : index
    %get3A_11 = vector.load %arg3[%get3A_9, %get3A_10] : memref<1x2048xf32, #tpu.memory_space<vmem>>, vector<1x2048xf32>
    %add3A = vector.broadcast %get3A_11 : vector<1x2048xf32> to vector<1024x2048xf32>
    %add3A_12 = arith.addf %dot_general3A_8, %add3A : vector<1024x2048xf32>
    %max3A = arith.constant 0.000000e+00 : f32
    %max3A_13 = vector.broadcast %max3A : f32 to vector<1024x2048xf32>
    %max3A_14 = arith.maximumf %add3A_12, %max3A_13 : vector<1024x2048xf32>
    %convert_element_type3A_15 = arith.truncf %max3A_14 : vector<1024x2048xf32> to vector<1024x2048xbf16>
    %swap3A = arith.constant 0 : index
    %swap3A_16 = arith.constant 0 : index
    %swap3A_17 = vector.load %arg8[%swap3A, %swap3A_16] : memref<1024x2048xbf16, #tpu.memory_space<vmem>>, vector<1024x2048xbf16>
    tpu.vector_store %arg8[%swap3A, %swap3A_16], %convert_element_type3A_15 {strides = array<i32>} : memref<1024x2048xbf16, #tpu.memory_space<vmem>>, vector<1024x2048xbf16>,
    %get3A_18 = arith.constant 0 : index
    %get3A_19 = arith.constant 0 : index
    %get3A_20 = vector.load %arg8[%get3A_18, %get3A_19] : memref<1024x2048xbf16, #tpu.memory_space<vmem>>, vector<1024x2048xbf16>
    %get3A_21 = arith.constant 0 : index
    %get3A_22 = arith.constant 0 : index
    %get3A_23 = vector.load %arg4[%get3A_21, %get3A_22] : memref<2048x16xf32, #tpu.memory_space<vmem>>, vector<2048x16xf32>
    %convert_element_type3A_24 = arith.truncf %get3A_23 : vector<2048x16xf32> to vector<2048x16xbf16>
    %dot_general3A_25 = arith.constant dense<0.000000e+00> : vector<1024x16xf32>
    %dot_general3A_26 = tpu.matmul %get3A_20, %convert_element_type3A_24, %dot_general3A_25 {dimension_numbers = #tpu.dot_dimension_numbers<[1], [0], [0], [1], [0, 0, 1, 1], [], []>, transpose_lhs_hint = false} : vector<1024x2048xbf16>, vector<2048x16xbf16>, vector<1024x16xf32> -> vector<1024x16xf32>
    %get3A_27 = arith.constant 0 : index
    %get3A_28 = arith.constant 0 : index
    %get3A_29 = vector.load %arg5[%get3A_27, %get3A_28] : memref<1x16xf32, #tpu.memory_space<vmem>>, vector<1x16xf32>
    %add3A_30 = vector.broadcast %get3A_29 : vector<1x16xf32> to vector<1024x16xf32>
    %add3A_31 = arith.addf %dot_general3A_26, %add3A_30 : vector<1024x16xf32>
    %swap3A_32 = arith.constant 0 : index
    %swap3A_33 = arith.constant 0 : index
    %swap3A_34 = vector.load %arg6[%swap3A_32, %swap3A_33] : memref<1024x16xf32, #tpu.memory_space<vmem>>, vector<1024x16xf32>
    tpu.vector_store %arg6[%swap3A_32, %swap3A_33], %add3A_31 {strides = array<i32>} : memref<1024x16xf32, #tpu.memory_space<vmem>>, vector<1024x16xf32>,
    return
  }
  func.func @transform_0(%arg0: i32) -> (i32, i32) {
    %c0_i32 = arith.constant 0 : i32
    %c0_i32_0 = arith.constant 0 : i32
    return %arg0, %c0_i32 : i32, i32
  }
  func.func @transform_1(%arg0: i32) -> (i32, i32) {
    %c0_i32 = arith.constant 0 : i32
    %c0_i32_0 = arith.constant 0 : i32
    %c0_i32_1 = arith.constant 0 : i32
    return %c0_i32, %c0_i32_0 : i32, i32
  }
  func.func @transform_2(%arg0: i32) -> (i32, i32) {
    %c0_i32 = arith.constant 0 : i32
    %c0_i32_0 = arith.constant 0 : i32
    %c0_i32_1 = arith.constant 0 : i32
    return %c0_i32, %c0_i32_0 : i32, i32
  }
  func.func @transform_3(%arg0: i32) -> (i32, i32) {
    %c0_i32 = arith.constant 0 : i32
    %c0_i32_0 = arith.constant 0 : i32
    %c0_i32_1 = arith.constant 0 : i32
    return %c0_i32, %c0_i32_0 : i32, i32
  }
  func.func @transform_4(%arg0: i32) -> (i32, i32) {
    %c0_i32 = arith.constant 0 : i32
    %c0_i32_0 = arith.constant 0 : i32
    %c0_i32_1 = arith.constant 0 : i32
    return %c0_i32, %c0_i32_0 : i32, i32
  }
  func.func @transform_5(%arg0: i32) -> (i32, i32) {
    %c0_i32 = arith.constant 0 : i32
    %c0_i32_0 = arith.constant 0 : i32
    return %arg0, %c0_i32 : i32, i32
  }
}

</mosaic_0001>

<sc_bundles>
// kernel: kernel.4.cloned.1.call-start
scs
__scs_entry_jumppad:
0x0: {  	(pc) =	sbr.rel $0x88, $3  }
0x1: {  	(tag) =	ssettag $0x0;
	lr =	simm.s32 $0x1  }
0x2: {  	[smem:$0x3F9C] =	sst lr;
	_ =	strace $0xD0000000  }
0x3: {  	_ = 	snop  }
0x4: {  	_ = 	snop  }
0x5: {  	_ = 	snop  }
0x6: {  	_ = 	snop  }
0x7: {  	_ = 	snop  }
__scs_overlays_trampoline_lowered:
0x8: {  	[smem:$0x3FAB] =	sst s0  }
0x9: {  	[smem:$0x3FAC] =	sst s1  }
0xa: {  	[smem:$0x3FAD] =	sst s2  }
0xb: {  	[smem:$0x3FAE] =	sst s3  }
0xc: {  	[smem:$0x3FAF] =	sst s4  }
0xd: {  	[smem:$0x3FB0] =	sst s5  }
0xe: {  	[smem:$0x3FB1] =	sst s6  }
0xf: {  	[smem:$0x3FB2] =	sst s7  }
0x10: {  	[smem:$0x3FB3] =	sst s8  }
0x11: {  	[smem:$0x3FB4] =	sst s9;
	s0 =	simm.s32 @!p0 $0x0  }
0x12: {  	s1 =	sld [smem:$0x3F9A];
	s0 =	simm.s32 @p0 $0x1  }
0x13: {  	[smem:$0x3FB5] =	sst s0;
	s0 =	simm.s32 @!p1 $0x0  }
0x14: {  	s2 =	sld [smem:$0x3F99];
	s0 =	simm.s32 @p1 $0x1  }
0x15: {  	[smem:$0x3FB6] =	sst s0;
	s0 =	simm.s32 @!p2 $0x0  }
0x16: {  	s3 =	sld [smem:$0x3FDB];
	s0 =	simm.s32 @p2 $0x1  }
0x17: {  	s4 =	simm.s32 $0x1BF5;
	[smem:$0x3FB8] =	sst s0  }
0x18: {  	s0 =	sld [smem:$0x3F9B];
	_ =	swait.ge [sflag:s4], $0x0  }
0x19: {  	s7 =	sld [smem:$0x3F9C]  }
0x1a: {  	s8 =	sadd.s32 $0xFFFFE003, lr  }
0x1b: {  	s9 =	sadd.s32 $0xFFFFFEF7, lr;
	s5 =	simm.s32 $0xFFFFFFFF;
	p2 =	slt.u32 s8, $0xFFFFF086  }
0x1c: {  	p1 =	slt.u32 s9, $0xF7A;
	s5 =	simm.s32 @!p2 $0x0  }
0x1d: {  	s5 =	simm.s32 @p1 $0x1;
	p0 =	seq.s32 s7, s2  }
0x1e: {  	s7 =	smul.u32 @!p0 $0xF7A, s2;
	p2 =	seq.s32 @!p0 s5, $0x0  }
0x1f: {  	s9 =	smul.u32 $0xF7A, s1;
	s8 =	simm.s32 @!p0 $0x1BF5;
	p2 =	por !p2, p0  }
0x20: {  	[sflag:s8] =	ssyncset.s32 @!p0 $0xFFFFF086;
	s6 =	sadd.s32 @!p0 s3, s7;
	s7 =	simm.s32 @!p0 $0x108  }
0x21: {  	s3 =	sadd.s32 s3, s9;
	s6 =	sadd.s32 @!p0 $0x88, s6;
	s7 =	simm.s32 @p2 $0x1082  }
0x22: {  	[simem:s7], [sflag:s8] =	dma.local @!p0 [hbm:s6], $0xF7A  }
0x23: {  	s9 =	sor.u32 $0xD0000000, s2;
	s6 =	simm.s32 $0x108;
	_ =	swait.ge @!p0 [sflag:s8], $0x0  }
0x24: {  	s3 =	sadd.s32 $0x88, s3;
	s6 =	simm.s32 @!p1 $0x1082;
	[sflag:s4] =	ssyncset.s32 $0xFFFFF086  }
0x25: {  	[simem:s6], [sflag:s4] =	dma.local [hbm:s3], $0xF7A  }
0x26: {  	[smem:$0x3F9C] =	sst s1;
	(tag) =	ssettag s2;
	_ =	strace s9  }
0x27: {  	s1 =	sld [smem:$0x3FAC]  }
0x28: {  	s2 =	sld [smem:$0x3FAD]  }
0x29: {  	s4 =	sld [smem:$0x3FAF]  }
0x2a: {  	p0 =	seq.s32 s5, $0x0;
	s5 =	sld [smem:$0x3FB0]  }
0x2b: {  	s6 =	sld [smem:$0x3FB1]  }
0x2c: {  	s7 =	sld [smem:$0x3FB2]  }
0x2d: {  	s3 =	simm.s32 $0x108;
	s8 =	sld [smem:$0x3FB3]  }
0x2e: {  	s3 =	simm.s32 @!p0 $0x1082;
	s9 =	sld [smem:$0x3FB4]  }
0x2f: {  	lr =	sadd.s32 s0, s3;
	s0 =	sld [smem:$0x3FAB]  }
0x30: {  	s3 =	sld [smem:$0x3FAE]  }
0x31: {  	[smem:$0x3FB7] =	sst s10  }
0x32: {  	s10 =	sld [smem:$0x3FB5];
	_ =	sdelay $0x3  }
0x33: {  	p0 =	seq.s32 s10, $0x1;
	s10 =	sld [smem:$0x3FB7];
	_ =	sdelay $0x3  }
0x34: {  	[smem:$0x3FB7] =	sst s10  }
0x35: {  	s10 =	sld [smem:$0x3FB6];
	_ =	sdelay $0x3  }
0x36: {  	p1 =	seq.s32 s10, $0x1;
	s10 =	sld [smem:$0x3FB7];
	_ =	sdelay $0x3  }
0x37: {  	[smem:$0x3FB7] =	sst s10  }
0x38: {  	s10 =	sld [smem:$0x3FB8]  }
0x39: {  	_ = 	snop;
	(pc) =	sbr.ind lr, $3  }
0x3a: {  	_ = 	snop  }
0x3b: {  	_ = 	snop  }
0x3c: {  	p2 =	seq.s32 s10, $0x1;
	s10 =	sld [smem:$0x3FB7]  }
0x3d: {  	_ =	shalt  }
0x3e: {  	_ =	shalt  }
0x3f: {  	_ =	shalt  }
0x40: {  	_ =	shalt  }
0x41: {  	_ =	shalt  }
0x42: {  	_ =	shalt  }
0x43: {  	_ =	shalt  }
0x44: {  	_ =	shalt  }
0x45: {  	_ =	shalt  }
0x46: {  	_ =	shalt  }
0x47: {  	_ =	shalt  }
0x48: {  	_ =	shalt  }
0x49: {  	_ =	shalt  }
0x4a: {  	_ =	shalt  }
0x4b: {  	_ =	shalt  }
0x4c: {  	_ =	shalt  }
0x4d: {  	_ =	shalt  }
0x4e: {  	_ =	shalt  }
0x4f: {  	_ =	shalt  }
0x50: {  	_ =	shalt  }
0x51: {  	_ =	shalt  }
0x52: {  	_ =	shalt  }
0x53: {  	_ =	shalt  }
0x54: {  	_ =	shalt  }
0x55: {  	_ =	shalt  }
0x56: {  	_ =	shalt  }
0x57: {  	_ =	shalt  }
0x58: {  	_ =	shalt  }
0x59: {  	_ =	shalt  }
0x5a: {  	_ =	shalt  }
0x5b: {  	_ =	shalt  }
0x5c: {  	_ =	shalt  }
0x5d: {  	_ =	shalt  }
0x5e: {  	_ =	shalt  }
0x5f: {  	_ =	shalt  }
0x60: {  	_ =	shalt  }
0x61: {  	_ =	shalt  }
0x62: {  	_ =	shalt  }
0x63: {  	_ =	shalt  }
0x64: {  	_ =	shalt  }
0x65: {  	_ =	shalt  }
0x66: {  	_ =	shalt  }
0x67: {  	_ =	shalt  }
0x68: {  	_ =	shalt  }
0x69: {  	_ =	shalt  }
0x6a: {  	_ =	shalt  }
0x6b: {  	_ =	shalt  }
0x6c: {  	_ =	shalt  }
0x6d: {  	_ =	shalt  }
0x6e: {  	_ =	shalt  }
0x6f: {  	_ =	shalt  }
0x70: {  	_ =	shalt  }
0x71: {  	_ =	shalt  }
0x72: {  	_ =	shalt  }
0x73: {  	_ =	shalt  }
0x74: {  	_ =	shalt  }
0x75: {  	_ =	shalt  }
0x76: {  	_ =	shalt  }
0x77: {  	_ =	shalt  }
0x78: {  	_ =	shalt  }
0x79: {  	_ =	shalt  }
0x7a: {  	_ =	shalt  }
0x7b: {  	_ =	shalt  }
0x7c: {  	_ =	shalt  }
0x7d: {  	_ =	shalt  }
0x7e: {  	_ =	shalt  }
0x7f: {  	_ =	shalt  }
0x80: {  	_ =	shalt  }
0x81: {  	_ =	shalt  }
0x82: {  	_ =	shalt  }
0x83: {  	_ =	shalt  }
0x84: {  	_ =	shalt  }
0x85: {  	_ =	shalt  }
0x86: {  	_ =	shalt  }
0x87: {  	_ =	shalt  }
.Lfunc_end0:
.L_simem_size_0:
called_computation_lowered:
.L_overlay_start_0:
0x88: {  	s2 =	sld [smem:$0x3FD9]  }
0x89: {  	s3 =	sld [smem:$0x3FFE];
	_ =	sdelay $0x1  }
0x8a: {  	s1 =	srdreg.scid  }
0x8b: {  	s0 =	sand.u32 $0x1, s1  }
0x8c: {  	s16 =	sshll.u32 s0, $0xA;
	s2 =	sadd.s32 s3, s2  }
0x8d: {  	s2 =	sadd.s32 s2, s16  }
0x8e: {  	[smem:$0x3FC3] =	sst s2  }
0x8f: {  	_ = 	snop  }
0x90: {  	(tm) =	ssettm $0x1  }
0x91: {  	s17 =	sld [smem:$0x3FFB];
	_ =	sdelay $0x3  }
0x92: {  	_ =	strace s17  }
0x93: {  	s2 =	sld [smem:$0x3FFC];
	_ =	sdelay $0x3  }
0x94: {  	_ =	strace s2  }
0x95: {  	s2 =	sld [smem:$0x3FFD];
	_ =	sdelay $0x3  }
0x96: {  	_ =	strace s2  }
0x97: {  	_ =	strace $0x8FFFFFFF  }
0x98: {  	s18 =	sld [smem:$0x3FDB];
	_ =	sdelay $0x1  }
0x99: {  	s19 =	simm.s32 $_scs_section_size  }
0x9a: {  	s4 =	simm.s32 $_size__tile_overlayer_lowered;
	s5 =	simm.s32 $_tile_overlayer_lowered  }
0x9b: {  	s22 =	simm.s32 $0x1BFF;
	s21 =	sshll.u32 s5, $0x1;
	s2 =	sadd.s32 s19, s18  }
0x9c: {  	s6 =	simm.s32 $0x0;
	s20 =	sshll.u32 s4, $0x1;
	s4 =	sadd.s32 s21, s2  }
0x9d: {  	[timem:s6], [sflag:s22] =	dma.local [hbm:s4], s20  }
0x9e: {  	_ =	swait.ge [sflag:s22], s20  }
0x9f: {  	s3 =	ssub.s32 $0x0, s20;
	[sflag:s22] =	ssyncset.done $0x0  }
0xa0: {  	[sflag:s22] =	ssyncadd.s32 s3;
	_ =	sdelay $0x1  }
0xa1: {  	s23 =	simm.s32 $0x1B8B  }
0xa2: {  	_ =	swait.ge [sflag:s23], $0x1  }
0xa3: {  	[sflag:s23] =	ssyncset.done $0x0  }
0xa4: {  	s25 =	simm.s32 $0x1B8E;
	s24 =	sld [smem:$0x3FFE];
	[sflag:s23] =	ssyncadd.s32 $0xFFFFFFFF  }
0xa5: {  	s26 =	simm.s32 $execute0_lowered;
	[smem:$0x3FD2] =	sst s25  }
0xa6: {  	s4 =	sshll.u32 s26, $0x1;
	_ =	strace $0x80000046;
	[dreg:$0x1] =	wrdreg $0xFFFFFFFF  }
0xa7: {  	s28 =	simm.s32 $_size_execute0_lowered;
	s2 =	sadd.s32 s2, s4;
	[dreg:$0x0] =	wrdreg $0x0  }
0xa8: {  	s4 =	sshll.u32 s28, $0x1;
	[dreg:$0x2] =	wrdreg s2  }
0xa9: {  	[dreg:$0x3] =	wrdreg s4  }
0xaa: {  	[dreg:$0x4] =	wrdreg $0xC0  }
0xab: {  	_ =	task [dreg:s6], $0x5FFFF  }
0xac: {  	[dreg:$0x1] =	wrdreg $0xFFFFFFFF  }
0xad: {  	[dreg:$0x0] =	wrdreg $0x60  }
0xae: {  	[dreg:$0x2] =	wrdreg s24  }
0xaf: {  	[dreg:$0x3] =	wrdreg $0x9  }
0xb0: {  	_ =	task.clear_ibuf [dreg:s6], $0x4FFFF;
	_ =	strace $0x90000046  }
0xb1: {  	s29 =	simm.s32 $0x9;
	_ =	strace $0x80000048  }
0xb2: {  	_ =	swait.ge [sflag:s29], $0x1  }
0xb3: {  	[sflag:s29] =	ssyncadd.s32 $0xFFFFFFFF  }
0xb4: {  	_ =	strace $0x90000048  }
0xb5: {  	_ =	sfence  }
0xb6: {  	s30 =	sld [smem:$0x0];
	_ =	sdelay $0x2  }
0xb7: {  	s31 =	sshll.u32 s1, $0xD;
	s1 =	sshrl.u32 s1, $0x2  }
0xb8: {  	s3 =	sand.u32 $0x4000, s31;
	s1 =	sadd.s32 s1, s30  }
0xb9: {  	s0 =	sor.u32 s3, s0;
	s1 =	sshll.u32 s1, $0x11  }
0xba: {  	s0 =	sor.u32 s1, s0  }
0xbb: {  	s0 =	sadd.s32 $0x8F2B, s0  }
0xbc: {  	[sflag:s0] =	ssyncadd.remote.s32 $0x1  }
0xbd: {  	_ =	sfence.sel $0xFFFF  }
0xbe: {  	[dreg:$0x0] =	wrdreg $0xFFFFFFFF;
	(pc) =	sbr.abs _section_cstart, $3  }
0xbf: {  	[dreg:$0x1] =	wrdreg $0xFFFFFFFF  }
0xc0: {  	_ =	task.clear_ibuf [dreg:s6], $0x2FFFF;
	_ =	strace $0x9FFFFFFF  }
0xc1: {  	(tm) =	ssettm $0x7FFFFFFF  }
tec
execute0_lowered:
.L_overlay_start_1:
0x0: {  	(tag) =	ssettag $0x1  }
0x1: {  	s3 =	rddreg [dreg:$0x0]  }
0x2: {  	s0 =	rddreg [dreg:$0x1];
	s4 =	srdreg.scid  }
0x3: {  	s2 =	simm.s32 $0x0;
	s1 =	stileid.u32;
	s4 =	sand.u32 $0x1, s4  }
0x4: {  	s7 =	simm.s32 $0x8000;
	s5 =	sshll.u32 s1, $0xD;
	s6 =	sshll.u32 s4, $0xC  }
0x5: {  	s8 =	simm.s32 $0x0;
	s4 =	ssub.s32 $0x2, s4;
	s5 =	sor.u32 s6, s5  }
0x6: {  	[smem:$0x7FF] =	sst s2;
	s31 =	sshrl.u32 s4, $0x1;
	s5 =	sadd.s32 s5, s3  }
0x7: {  	v0 =	vlaneseq.u32;
	_ =	strace $0x80000047;
	s6 =	ssub.s32 s4, s31;
	s3 =	sadd.s32 $0xC00, s5  }
0x8: {  	v1 =	vor.u32 $0x80000000, v0;
	s4 =	sadd.s32 $0x20C00, s5;
	s5 =	smax.u32 s6, $0x1;
	s6 =	simm.s32 $0x1  }
.LBB2_1:
0x9: {  	[tilespmem:s2], [sflag:$0x1] =	stream.linear.gather [hbm4b:s3+s2], $0x8000, $0x38;
	[tilespmem:$0x10000] =	vst v63  }
0xa: {  	_ =	swait.ge [sflag:s6], $0x8000  }
0xb: {  	[sflag:s6] =	ssyncset.done $0x0  }
0xc: {  	s11 =	simm.s32 $0x0;
	[sflag:s6] =	ssyncadd.s32 $0xFFFF8000  }
0xd: {  	v2 =	vld [tilespmem:s11+$0x0];
	_ =	sdelay $0x4  }
0xe: {  	(xrf0) =	vmax.scan.msk.f32 $0xffff, v2;
	_ =	sdelay $0x3  }
0xf: {  	s9 =	simm.s32 $0x80  }
0x10: {  	v4 =	vld [tilespmem:s9+$0x0]  }
0x11: {  	v3, _, _ =	vpop (xrf0)  }
0x12: {  	v5 =	vbroadcast v3, $0xF;
	_ =	sdelay $0x1  }
0x13: {  	vm0 =	vge.f32 v2, v5  }
0x14: {  	(xrf0) =	vmax.scan.msk.f32 $0xffff, v4;
	v5 =	vnsel vm0, $0x80000010, v1  }
0x15: {  	(xrf0) =	vmin.scan.msk.u32 $0xffff, v5;
	_ =	sdelay $0x4  }
0x16: {  	s10 =	simm.s32 $0x100;
	v5, _, _ =	vpop (xrf0)  }
0x17: {  	v7 =	vld [tilespmem:s10+$0x0];
	v6, _, _ =	vpop (xrf0)  }
0x18: {  	(v2sf) =	vpush v6, $0xF  }
0x19: {  	v8 =	vbroadcast v5, $0xF;
	_ =	sdelay $0x1  }
0x1a: {  	vm0 =	vge.f32 v4, v8  }
0x1b: {  	(xrf0) =	vmax.scan.msk.f32 $0xffff, v7;
	v6 =	vnsel vm0, $0x80000010, v1  }
0x1c: {  	(xrf0) =	vmin.scan.msk.u32 $0xffff, v6;
	_ =	sdelay $0x4  }
0x1d: {  	s12 =	simm.s32 $0x180;
	v9, _, _ =	vpop (xrf0)  }
0x1e: {  	v8 =	vld [tilespmem:s12+$0x0];
	v6, _, _ =	vpop (xrf0)  }
0x1f: {  	(v2sf) =	vpush v6, $0xF  }
0x20: {  	v6 =	vbroadcast v9, $0xF;
	_ =	sdelay $0x1  }
0x21: {  	vm0 =	vge.f32 v7, v6;
	s13 =	spop (v2sf)  }
0x22: {  	(xrf0) =	vmax.scan.msk.f32 $0xffff, v8;
	v6 =	vnsel vm0, $0x80000010, v1;
	s13 =	sxor.u32 $0x80000000, s13  }
0x23: {  	(xrf0) =	vmin.scan.msk.u32 $0xffff, v6;
	v6 =	vmov s13  }
0x24: {  	vm0 =	veq.s32 v6, v0  }
0x25: {  	v2 =	vsel vm0, $0xFF800000, v2  }
0x26: {  	(xrf0) =	vmax.scan.msk.f32 $0xffff, v2  }
0x27: {  	s13 =	simm.s32 $0x200  }
0x28: {  	v13, _, _ =	vpop (xrf0);
	v11 =	vld [tilespmem:s13+$0x0]  }
0x29: {  	v10, _, _ =	vpop (xrf0)  }
0x2a: {  	v6 =	vbroadcast v13, $0xF;
	(v2sf) =	vpush v10, $0xF;
	_ =	sdelay $0x1  }
0x2b: {  	vm1 =	vge.f32 v8, v6;
	(v2sf) =	vpush v3, $0xF;
	v10, _, _ =	vpop (xrf0)  }
0x2c: {  	v6 =	vnsel vm1, $0x80000010, v1;
	(xrf0) =	vmax.scan.msk.f32 $0xffff, v11;
	s14 =	spop (v2sf);
	(v2sf) =	vpush v10, $0xF  }
0x2d: {  	(xrf0) =	vmin.scan.msk.u32 $0xffff, v6;
	s14 =	sxor.u32 $0x80000000, s14  }
0x2e: {  	v3 =	vmov s14;
	s14 =	simm.s32 $0x280  }
0x2f: {  	vm1 =	veq.s32 v3, v0;
	v3 =	vld [tilespmem:s14+$0x0];
	_ =	sdelay $0x1  }
0x30: {  	v15 =	vsel vm1, $0xFF800000, v4  }
0x31: {  	(xrf0) =	vmax.scan.msk.f32 $0xffff, v15;
	v14, _, _ =	vpop (xrf0)  }
0x32: {  	v4, _, _ =	vpop (xrf0)  }
0x33: {  	(v2sf) =	vpush v4, $0xF;
	(xrf0) =	vmax.scan.msk.f32 $0xffff, v3  }
0x34: {  	v4 =	vbroadcast v14, $0xF;
	_ =	sdelay $0x1  }
0x35: {  	vm2 =	vge.f32 v11, v4  }
0x36: {  	(v2sf) =	vpush v5, $0xF;
	v12, _, _ =	vpop (xrf0);
	v4 =	vnsel vm2, $0x80000010, v1;
	s15 =	spop (v2sf)  }
0x37: {  	(v2sf) =	vpush v12, $0xF;
	(xrf0) =	vmin.scan.msk.u32 $0xffff, v4;
	s16 =	sxor.u32 $0x80000000, s15  }
0x38: {  	s15 =	simm.s32 $0x300;
	s24 =	spop (v2sf);
	v4 =	vmov s16;
	v6, _, _ =	vpop (xrf0)  }
0x39: {  	v5 =	vld [tilespmem:s15+$0x0];
	vm2 =	veq.s32 v4, v0;
	v4 =	vbroadcast v6, $0xF;
	s17 =	spop (v2sf)  }
0x3a: {  	s16 =	ssub.f32 s17, s24  }
0x3b: {  	v16 =	vsel vm2, $0xFF800000, v7;
	vm3 =	vge.f32 v3, v4;
	v4 =	vbroadcast v10, $0xF  }
0x3c: {  	(xrf0) =	vmax.scan.msk.f32 $0xffff, v16;
	v17 =	vmov s16  }
0x3d: {  	v7, _, _ =	vpop (xrf0);
	v10 =	vnsel vm3, $0x80000010, v1;
	vm3 =	vge.f32 v2, v4;
	v2 =	vmul.f32 $1.442695020e+00, v17  }
0x3e: {  	(xrf0) =	vmax.scan.msk.f32 $0xffff, v5;
	(v2sf) =	vpush v7, $0xF  }
0x3f: {  	(xrf0) =	vmin.scan.msk.u32 $0xffff, v10;
	v2 =	vbroadcast v2, $0x0;
	_ =	sdelay $0x1  }
0x40: {  	v4 =	vnsel vm3, $0x80000010, v1;
	s25 =	spop (v2sf);
	(erf) = vpow2.f32 v2  }
0x41: {  	(v2sf) =	vpush v9, $0xF;
	(xrf0) =	vmin.scan.msk.u32 $0xffff, v4;
	s16 =	sxor.u32 $0x80000000, s25;
	v17, _, _ =	vpop (xrf0)  }
0x42: {  	v4 =	vmov s16;
	s16 =	simm.s32 $0x380;
	(v2sf) =	vpush v17, $0xF  }
0x43: {  	vm3 =	veq.s32 v4, v0;
	v9, _, _ =	vpop (xrf0);
	v4 =	vld [tilespmem:s16+$0x0]  }
0x44: {  	s26 =	spop (v2sf);
	v2, _, _ =	vpop (xrf0)  }
0x45: {  	s18 =	spop (v2sf);
	v7 =	vbroadcast v9, $0xF;
	(v2sf) =	vpush v2, $0xF  }
0x46: {  	v10 =	vsel vm3, $0xFF800000, v8;
	s17 =	ssub.f32 s18, s26  }
0x47: {  	(xrf0) =	vmax.scan.msk.f32 $0xffff, v10;
	vm4 =	vge.f32 v5, v7;
	v2, _, _ =	vpop (xrf0)  }
0x48: {  	v7 =	vbroadcast v12, $0xF;
	(v2sf) =	vpush v2, $0xF;
	v2 =	vmov s17;
	(xrf0) =	vmax.scan.msk.f32 $0xffff, v4  }
0x49: {  	v8 =	vnsel vm4, $0x80000010, v1;
	v2 =	vmul.f32 $1.442695020e+00, v2;
	(v2sf) =	vpush v13, $0xF;
	v13 =	vpop (erf)  }
0x4a: {  	(xrf0) =	vmin.scan.msk.u32 $0xffff, v8;
	v8 =	vadd.f32 $1.000000000e+00, v13  }
0x4b: {  	vm4 =	vge.f32 v15, v7;
	v2 =	vbroadcast v2, $0x0  }
0x4c: {  	v7 =	vnsel vm4, $0x80000010, v1;
	s28 =	spop (v2sf)  }
0x4d: {  	v12, _, _ =	vpop (xrf0);
	(xrf0) =	vmin.scan.msk.u32 $0xffff, v7;
	s18 =	sxor.u32 $0x80000000, s28;
	(erf) = vpow2.f32 v2  }
0x4e: {  	vm0 =	vmmov vm0;
	s17 =	simm.s32 $0x400;
	v2 =	vmov s18;
	(erf) = vrcp.f32 v8;
	v8, _, _ =	vpop (xrf0)  }
0x4f: {  	vm0 =	vmmov vm0;
	v7 =	vld [tilespmem:s17+$0x0];
	vm4 =	veq.s32 v2, v0;
	v2 =	vbroadcast v8, $0xF  }
0x50: {  	vm0 =	vmmov vm0;
	s29 =	spop (v2sf);
	(v2sf) =	vpush v12, $0xF  }
0x51: {  	vm0 =	vmmov vm0;
	vm2 =	vmmov vm2;
	s19 =	spop (v2sf)  }
0x52: {  	vm5 =	vmmov vm0;
	vm2 =	vmmov vm2;
	v11 =	vsel vm4, $0xFF800000, v11;
	v15, _, _ =	vpop (xrf0);
	s18 =	ssub.f32 s19, s29  }
0x53: {  	(xrf0) =	vmax.scan.msk.f32 $0xffff, v11;
	(v2sf) =	vpush v15, $0xF;
	v15 =	vbroadcast v17, $0xF;
	vm0 =	vge.f32 v4, v2;
	v2, _, _ =	vpop (xrf0)  }
0x54: {  	(xrf0) =	vmax.scan.msk.f32 $0xffff, v7;
	v17 =	vnsel vm0, $0x80000010, v1;
	s30 =	spop (v2sf);
	(v2sf) =	vpush v2, $0xF;
	v2 =	vmov s18  }
0x55: {  	vm3 =	vmmov vm3;
	vm0 =	vmmov vm2;
	(xrf0) =	vmin.scan.msk.u32 $0xffff, v17;
	s18 =	sxor.u32 $0x80000000, s30  }
0x56: {  	vm2 =	vmmov vm3;
	vm3 =	vge.f32 v16, v15;
	v16 =	vmov s18  }
0x57: {  	v15 =	vmul.f32 $1.442695020e+00, v2;
	v2 =	vpop (erf)  }
0x58: {  	vm1 =	vmmov vm1;
	s31 =	spop (v2sf);
	v18 =	vpop (erf)  }
0x59: {  	v17 =	vnsel vm3, $0x80000010, v1;
	(v2sf) =	vpush v14, $0xF;
	s18 =	sxor.u32 $0x80000000, s31;
	vm3 =	veq.s32 v16, v0;
	v16, _, _ =	vpop (xrf0)  }
0x5a: {  	v14 =	vbroadcast v15, $0x0;
	v15 =	vmov s18;
	v20 =	vmul.f32 v18, v13;
	v13, _, _ =	vpop (xrf0);
	(xrf0) =	vmin.scan.msk.u32 $0xffff, v17  }
0x5b: {  	vm6 =	veq.s32 v15, v0;
	v15 =	vsel vm3, $0xFF800000, v3;
	(v2sf) =	vpush v16, $0xF;
	v3, _, _ =	vpop (xrf0)  }
0x5c: {  	vm1 =	vmmov vm1;
	v19 =	vadd.f32 $1.000000000e+00, v2;
	(v2sf) =	vpush v3, $0xF  }
0x5d: {  	vm1 =	vmmov vm1;
	s18 =	simm.s32 $0x480;
	(erf) = vpow2.f32 v14  }
0x5e: {  	vm1 =	vmmov vm1;
	s21 =	spop (v2sf);
	v14 =	vld [tilespmem:s18+$0x0];
	(erf) = vrcp.f32 v19;
	v19 =	vnsel vm6, $0x0, v20  }
0x5f: {  	vm4 =	vmmov vm4;
	s19 =	simm.s32 $0x1400;
	s22 =	spop (v2sf);
	(xrf0) =	vmax.scan.msk.f32 $0xffff, v15;
	v17 =	vbroadcast v13, $0xF;
	v3 =	vsel vm5, v18, v19  }
.LBB2_2:
0x60: {  	p0 =	sne.s32 s19, $0x1FE00;
	s20 =	ssub.f32 s22, s21;
	v18, _, _ =	vpop (xrf0)  }
0x61: {  	[tilespmem:s11+$0x8000] =	vst v3;
	v19 =	vmovc v8;
	v8 =	vmovc v13;
	vm5 =	vmmov vm1;
	vm1 =	vmmov vm0;
	vm0 =	vmmov vm2;
	s11 =	smov.u32 s9;
	s9 =	smov.u32 s10;
	s10 =	smov.u32 s12  }
0x62: {  	v3 =	vbroadcast v12, $0xF;
	v12 =	vmovc v16;
	s12 =	smov.u32 s13;
	s13 =	smov.u32 s14;
	s14 =	smov.u32 s15;
	vm2 =	vge.f32 v7, v17;
	(v2sf) =	vpush v18, $0xF  }
0x63: {  	s15 =	smov.u32 s16;
	s16 =	smov.u32 s17;
	s17 =	smov.u32 s18;
	(xrf0) =	vmax.scan.msk.f32 $0xffff, v14;
	v13 =	vnsel vm2, $0x80000010, v1;
	v17 =	vmov s20;
	v18 =	vmovc v14;
	vm2 =	vmmov vm4  }
0x64: {  	vm4 =	vge.f32 v10, v3;
	v10 =	vmovc v11;
	v11 =	vmov v15;
	(xrf0) =	vmin.scan.msk.u32 $0xffff, v13;
	s18 =	spop (v2sf);
	v3 =	vmul.f32 $1.442695020e+00, v17  }
0x65: {  	v13 =	vnsel vm4, $0x80000010, v1;
	vm4 =	vmmov vm3;
	s18 =	sxor.u32 $0x80000000, s18;
	v16, _, _ =	vpop (xrf0)  }
0x66: {  	v14 =	vmov s18;
	(v2sf) =	vpush v6, $0xF;
	v3 =	vbroadcast v3, $0x0;
	(xrf0) =	vmin.scan.msk.u32 $0xffff, v13;
	v6 =	vpop (erf);
	s18 =	spop (v2sf)  }
.Ltmp0:
0x67: {  	vm3 =	veq.s32 v14, v0;
	(v2sf) =	vpush v16, $0xF;
	v17 =	vadd.f32 $1.000000000e+00, v6;
	s20 =	sxor.u32 $0x80000000, s18;
	v20 =	vpop (erf);
	(pc) =	sbr.rel @p0 .LBB2_2-.Ltmp0, $4  }
0x68: {  	s18 =	sshra.s32 s19, $0x2;
	(erf) = vpow2.f32 v3;
	v3 =	vmul.f32 v20, v2;
	v21 =	vmov s20;
	v2 =	vmovc v6;
	v6 =	vmovc v9  }
0x69: {  	v15 =	vsel vm3, $0xFF800000, v5;
	v14 =	vld [tilespmem:s18+$0x0];
	v13, _, _ =	vpop (xrf0);
	(erf) = vrcp.f32 v17;
	vm6 =	veq.s32 v21, v0  }
0x6a: {  	v5 =	vmov v4;
	v4 =	vmov v7;
	v9, _, _ =	vpop (xrf0);
	(xrf0) =	vmax.scan.msk.f32 $0xffff, v15;
	s21 =	spop (v2sf);
	v3 =	vnsel vm6, $0x0, v3  }
0x6b: {  	s19 =	sadd.s32 $0x200, s19;
	v7 =	vmovc v18;
	v17 =	vbroadcast v13, $0xF;
	(v2sf) =	vpush v9, $0xF;
	s22 =	spop (v2sf);
	v3 =	vsel vm5, v20, v3;
	v9 =	vmovc v19  }
0x6c: {  	_ =	sdelay $0x1  }
0x6d: {  	(xrf0) =	vmax.scan.msk.f32 $0xffff, v14;
	_ =	sdelay $0x3  }
0x6e: {  	v18, _, _ =	vpop (xrf0);
	v12 =	vbroadcast v12, $0xF  }
0x6f: {  	s19 =	spop (v2sf);
	vm5 =	vge.f32 v7, v17;
	v29, _, _ =	vpop (xrf0)  }
0x70: {  	s19 =	sxor.u32 $0x80000000, s19;
	v19 =	vnsel vm5, $0x80000010, v1;
	vm9 =	vge.f32 v10, v12;
	v30, _, _ =	vpop (xrf0)  }
0x71: {  	v31 =	vmov s19;
	v12 =	vnsel vm9, $0x80000010, v1;
	(xrf0) =	vmin.scan.msk.u32 $0xffff, v19;
	v20 =	vbroadcast v30, $0xF  }
0x72: {  	vm5 =	veq.s32 v31, v0;
	(xrf0) =	vmin.scan.msk.u32 $0xffff, v12  }
0x73: {  	v5 =	vsel vm5, $0xFF800000, v5;
	vm6 =	vge.f32 v14, v20  }
0x74: {  	(xrf0) =	vmax.scan.msk.f32 $0xffff, v5;
	v32 =	vnsel vm6, $0x80000010, v1  }
0x75: {  	(v2sf) =	vpush v18, $0xF;
	(xrf0) =	vmin.scan.msk.u32 $0xffff, v32  }
0x76: {  	(v2sf) =	vpush v6, $0xF  }
0x77: {  	(v2sf) =	vpush v29, $0xF;
	v33, _, _ =	vpop (xrf0)  }
0x78: {  	(v2sf) =	vpush v33, $0xF;
	v34, _, _ =	vpop (xrf0)  }
0x79: {  	(v2sf) =	vpush v34, $0xF  }
0x7a: {  	(v2sf) =	vpush v9, $0xF;
	v35, _, _ =	vpop (xrf0)  }
0x7b: {  	s20 =	spop (v2sf);
	(v2sf) =	vpush v35, $0xF;
	v36, _, _ =	vpop (xrf0)  }
0x7c: {  	s19 =	spop (v2sf);
	(v2sf) =	vpush v36, $0xF  }
0x7d: {  	v37 =	vbroadcast v16, $0xF;
	s24 =	spop (v2sf)  }
0x7e: {  	s23 =	spop (v2sf)  }
0x7f: {  	vm10 =	vge.f32 v11, v37;
	s23 =	sxor.u32 $0x80000000, s23  }
0x80: {  	s21 =	ssub.f32 s22, s21;
	v9 =	vnsel vm10, $0x80000010, v1;
	v38 =	vmov s23  }
0x81: {  	(xrf0) =	vmin.scan.msk.u32 $0xffff, v9;
	vm6 =	veq.s32 v38, v0  }
0x82: {  	v39 =	vmov s21;
	v4 =	vsel vm6, $0xFF800000, v4  }
0x83: {  	v9 =	vmul.f32 $1.442695020e+00, v39;
	(xrf0) =	vmax.scan.msk.f32 $0xffff, v4  }
0x84: {  	s22 =	spop (v2sf)  }
0x85: {  	v40 =	vbroadcast v29, $0xF;
	v9 =	vbroadcast v9, $0x0;
	s30 =	spop (v2sf)  }
0x86: {  	s25 =	spop (v2sf)  }
0x87: {  	vm7 =	vge.f32 v15, v40;
	(erf) = vpow2.f32 v9;
	v41, _, _ =	vpop (xrf0);
	s26 =	spop (v2sf)  }
0x88: {  	v11 =	vnsel vm7, $0x80000010, v1;
	(v2sf) =	vpush v41, $0xF;
	s23 =	spop (v2sf)  }
0x89: {  	(xrf0) =	vmin.scan.msk.u32 $0xffff, v11;
	(v2sf) =	vpush v8, $0xF;
	v43, _, _ =	vpop (xrf0);
	s26 =	sxor.u32 $0x80000000, s26;
	s28 =	spop (v2sf)  }
0x8a: {  	v6 =	vbroadcast v35, $0xF;
	(v2sf) =	vpush v43, $0xF;
	v42 =	vmov s26;
	s31 =	spop (v2sf)  }
0x8b: {  	s19 =	ssub.f32 s24, s19;
	vm8 =	veq.s32 v42, v0;
	s29 =	spop (v2sf)  }
0x8c: {  	vm11 =	vge.f32 v5, v6;
	v44 =	vsel vm8, $0xFF800000, v7;
	s29 =	sxor.u32 $0x80000000, s29  }
0x8d: {  	v46 =	vpop (erf);
	v47 =	vmov s19;
	v5 =	vnsel vm11, $0x80000010, v1;
	s24 =	ssub.f32 s25, s30;
	(xrf0) =	vmax.scan.msk.f32 $0xffff, v44;
	v45 =	vmov s29  }
0x8e: {  	v51 =	vpop (erf);
	v6 =	vmul.f32 $1.442695020e+00, v47;
	(xrf0) =	vmin.scan.msk.u32 $0xffff, v5;
	vm7 =	veq.s32 v45, v0  }
0x8f: {  	v50 =	vadd.f32 $1.000000000e+00, v46;
	v52 =	vmov s24;
	v49, _, _ =	vpop (xrf0);
	v48 =	vsel vm7, $0xFF800000, v14  }
0x90: {  	v6 =	vbroadcast v6, $0x0;
	v15 =	vmul.f32 $1.442695020e+00, v52;
	v53 =	vpop (erf);
	(xrf0) =	vmax.scan.msk.f32 $0xffff, v48  }
0x91: {  	(erf) = vrcp.f32 v50;
	v54 =	vadd.f32 $1.000000000e+00, v53  }
0x92: {  	(erf) = vpow2.f32 v6;
	v56 =	vbroadcast v15, $0x0;
	(v2sf) =	vpush v49, $0xF  }
0x93: {  	(v2sf) =	vpush v13, $0xF;
	(erf) = vrcp.f32 v54;
	v55, _, _ =	vpop (xrf0)  }
0x94: {  	(erf) = vpow2.f32 v56;
	(v2sf) =	vpush v55, $0xF;
	v57, _, _ =	vpop (xrf0)  }
0x95: {  	(v2sf) =	vpush v57, $0xF  }
0x96: {  	(v2sf) =	vpush v30, $0xF;
	v58, _, _ =	vpop (xrf0)  }
0x97: {  	s24 =	spop (v2sf);
	(v2sf) =	vpush v58, $0xF  }
0x98: {  	s28 =	ssub.f32 s31, s28;
	s25 =	spop (v2sf)  }
0x99: {  	s29 =	spop (v2sf)  }
0x9a: {  	v59 =	vpop (erf);
	v60 =	vmov s28;
	s19 =	ssub.f32 s29, s25  }
0x9b: {  	v61 =	vpop (erf);
	v10 =	vmul.f32 $1.442695020e+00, v60  }
0x9c: {  	v62 =	vadd.f32 $1.000000000e+00, v61;
	v63 =	vpop (erf);
	v23 =	vmov s19  }
0x9d: {  	v10 =	vbroadcast v10, $0x0;
	v24 =	vpop (erf);
	v18 =	vmul.f32 $1.442695020e+00, v23  }
0x9e: {  	(erf) = vrcp.f32 v62;
	v25 =	vadd.f32 $1.000000000e+00, v24  }
0x9f: {  	(erf) = vpow2.f32 v10;
	v26 =	vbroadcast v18, $0x0  }
0xa0: {  	(erf) = vrcp.f32 v25  }
0xa1: {  	s21 =	spop (v2sf);
	(erf) = vpow2.f32 v26  }
0xa2: {  	s20 =	sxor.u32 $0x80000000, s20;
	s30 =	spop (v2sf)  }
0xa3: {  	v28 =	vmov s20;
	v2 =	vmul.f32 v51, v2;
	s31 =	spop (v2sf)  }
0xa4: {  	vm0 =	vmmov vm0;
	vm12 =	veq.s32 v28, v0;
	v27 =	vbroadcast v43, $0xF;
	s19 =	spop (v2sf)  }
0xa5: {  	vm1 =	vmmov vm1;
	vm0 =	vmmov vm0;
	v2 =	vnsel vm12, $0x0, v2;
	s30 =	ssub.f32 s31, s30;
	s28 =	spop (v2sf)  }
0xa6: {  	vm12 =	vmmov vm5;
	s22 =	sxor.u32 $0x80000000, s22;
	vm9 =	vge.f32 v4, v27;
	v12 =	vbroadcast v55, $0xF;
	s31 =	spop (v2sf)  }
0xa7: {  	v29 =	vmov s22;
	v10 =	vnsel vm9, $0x80000010, v1;
	v33 =	vpop (erf);
	v31 =	vmov s30;
	s22 =	ssub.f32 s31, s28  }
0xa8: {  	vm10 =	vge.f32 v44, v12;
	v34 =	vpop (erf);
	v6 =	vbroadcast v58, $0xF;
	v4 =	vmul.f32 $1.442695020e+00, v31  }
0xa9: {  	v21 =	vnsel vm10, $0x80000010, v1;
	(xrf0) =	vmin.scan.msk.u32 $0xffff, v10;
	v35 =	vadd.f32 $1.000000000e+00, v34;
	v36 =	vpop (erf);
	v32 =	vmov s22  }
0xaa: {  	(xrf0) =	vmin.scan.msk.u32 $0xffff, v21;
	vm13 =	vge.f32 v48, v6;
	v37 =	vpop (erf);
	v4 =	vbroadcast v4, $0x0;
	v38 =	vmul.f32 $1.442695020e+00, v32  }
0xab: {  	v39 =	vnsel vm13, $0x80000010, v1;
	(erf) = vrcp.f32 v35;
	v40 =	vadd.f32 $1.000000000e+00, v37  }
0xac: {  	v2 =	vsel vm1, v51, v2;
	(xrf0) =	vmin.scan.msk.u32 $0xffff, v39;
	(erf) = vpow2.f32 v4;
	v41 =	vbroadcast v38, $0x0  }
0xad: {  	vm11 =	vmmov vm3;
	vm3 =	vmmov vm12;
	(erf) = vrcp.f32 v40  }
0xae: {  	vm14 =	veq.s32 v29, v0;
	vm12 =	vmmov vm8;
	s24 =	sxor.u32 $0x80000000, s24;
	(erf) = vpow2.f32 v41  }
0xaf: {  	v42 =	vmov s24;
	vm9 =	vmmov vm2;
	vm2 =	vmmov vm11;
	v43, _, _ =	vpop (xrf0)  }
0xb0: {  	vm2 =	vmmov vm2;
	v44 =	vmul.f32 v59, v46;
	(v2sf) =	vpush v43, $0xF;
	v46, _, _ =	vpop (xrf0)  }
0xb1: {  	vm11 =	veq.s32 v42, v0;
	vm10 =	vmmov vm4;
	s29 =	sxor.u32 $0x80000000, s23;
	(v2sf) =	vpush v46, $0xF  }
0xb2: {  	v45 =	vmul.f32 v63, v53;
	vm1 =	vmmov vm10;
	v30 =	vmov s29;
	v47, _, _ =	vpop (xrf0)  }
0xb3: {  	v13 =	vmul.f32 v33, v61;
	s25 =	sxor.u32 $0x80000000, s21;
	vm15 =	veq.s32 v30, v0;
	(v2sf) =	vpush v47, $0xF  }
0xb4: {  	vm1 =	vmmov vm1;
	v55 =	vmov s25;
	v5 =	vnsel vm15, $0x0, v45;
	v48 =	vpop (erf)  }
0xb5: {  	vm15 =	vmmov vm2;
	v13 =	vnsel vm11, $0x0, v13;
	vm13 =	vmmov vm6;
	v49 =	vpop (erf)  }
0xb6: {  	vm8 =	veq.s32 v55, v0;
	vm10 =	vmmov vm13;
	v54 =	vmul.f32 v36, v24;
	v50 =	vpop (erf)  }
0xb7: {  	vm13 =	vmmov vm15;
	vm15 =	vmmov vm10;
	v51 =	vadd.f32 $1.000000000e+00, v49;
	v52 =	vpop (erf)  }
0xb8: {  	vm10 =	vmmov vm7;
	v8 =	vnsel vm8, $0x0, v54;
	s19 =	sxor.u32 $0x80000000, s19;
	v53 =	vadd.f32 $1.000000000e+00, v52  }
0xb9: {  	v8 =	vsel vm13, v36, v8;
	v56 =	vmov s19;
	(erf) = vrcp.f32 v51  }
0xba: {  	v10 =	vmul.f32 v48, v34;
	v4 =	vnsel vm14, $0x0, v44;
	(erf) = vrcp.f32 v53  }
0xbb: {  	vm14 =	vmmov vm1;
	v4 =	vsel vm0, v59, v4;
	vm0 =	vmmov vm9  }
0xbc: {  	vm9 =	vmmov vm3;
	v11 =	vsel vm14, v33, v13;
	vm0 =	vmmov vm0  }
0xbd: {  	vm14 =	vmmov vm9;
	vm9 =	vmmov vm12;
	vm12 =	vmmov vm15  }
0xbe: {  	[tilespmem:s11+$0x8000] =	vst v3;
	vm15 =	vmmov vm10;
	vm11 =	vmmov vm14;
	vm14 =	veq.s32 v56, v0  }
0xbf: {  	[tilespmem:s9+$0x8000] =	vst v2;
	v5 =	vsel vm0, v63, v5;
	vm13 =	vmmov vm9;
	v2 =	vnsel vm14, $0x0, v10;
	s26 =	spop (v2sf)  }
0xc0: {  	vm10 =	vmmov vm13;
	v2 =	vsel vm11, v48, v2;
	vm11 =	vmmov vm15;
	s29 =	spop (v2sf)  }
0xc1: {  	[tilespmem:s10+$0x8000] =	vst v4;
	vm9 =	vmmov vm12;
	vm12 =	vmmov vm10;
	vm2 =	vmmov vm11;
	s28 =	sxor.u32 $0x80000000, s26;
	s9 =	sxor.u32 $0x80000000, s29  }
0xc2: {  	[tilespmem:s12+$0x8000] =	vst v5;
	v57 =	vmov s28;
	v60 =	vmov s9;
	v3 =	vmul.f32 v50, v37;
	s30 =	spop (v2sf);
	v58 =	vpop (erf)  }
0xc3: {  	[tilespmem:s13+$0x8000] =	vst v11;
	vm8 =	veq.s32 v57, v0;
	vm13 =	veq.s32 v60, v0;
	s31 =	sxor.u32 $0x80000000, s30;
	v59 =	vmul.f32 v58, v49;
	v61 =	vpop (erf)  }
0xc4: {  	[tilespmem:s14+$0x8000] =	vst v8;
	v3 =	vnsel vm8, $0x0, v3;
	v63 =	vmov s31;
	v62 =	vmul.f32 v61, v52  }
0xc5: {  	[tilespmem:s15+$0x8000] =	vst v2;
	v3 =	vsel vm9, v50, v3;
	vm14 =	veq.s32 v63, v0;
	v2 =	vnsel vm13, $0x0, v59  }
0xc6: {  	s8 =	sadd.s32 $0x1, s8;
	vm15 =	vmmov vm2;
	[tilespmem:s16+$0x8000] =	vst v3;
	v2 =	vsel vm12, v58, v2;
	v3 =	vnsel vm14, $0x0, v62  }
0xc7: {  	p0 =	sne.s32 s8, s5;
	[tilespmem:s17+$0x8000] =	vst v2;
	v2 =	vsel vm15, v61, v3  }
.Ltmp1:
0xc8: {  	[tilespmem:s18+$0x8000] =	vst v2;
	(pc) =	sbr.rel @p0 .LBB2_1-.Ltmp1, $4  }
0xc9: {  	[hbm4b:s4+s2] =	stream.linear.scatter [tilespmem:s7], [sflag:$0x1], $0x8000, $0x38;
	[tilespmem:$0x10000] =	vst v63  }
0xca: {  	_ =	swait.ge [sflag:s6], $0x8000  }
0xcb: {  	[sflag:s6] =	ssyncset.done $0x0  }
0xcc: {  	[sflag:s6] =	ssyncadd.s32 $0xFFFF8000  }
0xcd: {  	_ =	sfence.sel $0x180000  }
0xce: {  	[bflag:$0x0] =	sbarrier.arrive $0xFFFF  }
0xcf: {  	p0 =	sne.s32 s1, $0x0;
	_ =	strace $0x90000047  }
0xd0: {  	s0 =	sadd.s32 @!p0 $0x100000, s0;
	[bflag:$0x2] =	sbarrier.arrive $0xFFFF  }
0xd1: {  	[sflag:s0] =	ssyncadd.tile.s32 @!p0 $0x1;
	_ =	shalt  }
.Lfunc_end2:
_tile_overlayer_lowered:
.L_overlay_start_2:
0xd2: {  	(tag) =	ssettag $0x2  }
0xd3: {  	s0 =	rddreg [dreg:$0x0];
	s2 =	stileid.u32  }
0xd4: {  	s1 =	rddreg [dreg:$0x1];
	p0 =	sne.s32 s2, $0x0  }
0xd5: {  	s3 =	rddreg [dreg:$0x2];
	[bflag:$0x3] =	sbarrier.arrive $0xFFFF;
	s2 =	simm.s32 @!p0 $0x1C01  }
0xd6: {  	[timem:s3], [sflag:s2] =	dma.local @!p0 [hbm:s0], s1  }
0xd7: {  	s0 =	simm.s32 @!p0 $0x1  }
0xd8: {  	_ =	swait.ge @!p0 [sflag:s0], s1  }
0xd9: {  	s1 =	ssub.s32 @!p0 $0x0, s1;
	[sflag:s0] =	ssyncset.done @!p0 $0x0  }
0xda: {  	[sflag:s0] =	ssyncadd.s32 @!p0 s1  }
0xdb: {  	[bflag:$0x3] =	sbarrier.arrive $0xFFFF  }
0xdc: {  	_ =	shalt  }

</sc_bundles>
